<compile_context>
chip_gen: v7x
topology: tpu7x:2x2x1
jax: 0.10.2.dev20260603
libtpu: 0.0.44.dev20260713+nightly
codegen_flags: <defaults>
</compile_context>

<pallas_src>
import functools

import jax
import jax.numpy as jnp
from jax.experimental import pallas as pl
from jax.experimental.pallas import tpu as pltpu
from jax.experimental.pallas import tpu_sc as plsc

EMBED = 128
LANES = 16
IDX_PAD = 8


def _sc_body(idx_hbm, w_hbm, c_hbm, out_hbm,
             idx_v, row_w, row_c, out_v, sem_w, sem_c):
    pltpu.sync_copy(idx_hbm, idx_v)
    cp_w = pltpu.async_copy(w_hbm.at[idx_v.at[pl.ds(0, 1)]], row_w, sem_w)
    cp_c = pltpu.async_copy(c_hbm.at[idx_v.at[pl.ds(IDX_PAD, 1)]], row_c, sem_c)
    cp_w.wait()
    cp_c.wait()
    acc = row_w[0, pl.ds(0, LANES)] * row_c[0, pl.ds(0, LANES)]
    for j in range(1, EMBED // LANES):
        acc = acc + row_w[0, pl.ds(j * LANES, LANES)] * row_c[0, pl.ds(j * LANES, LANES)]
    s = acc[0]
    for i in range(1, LANES):
        s = s + acc[i]
    v = jnp.full((LANES,), s, jnp.float32)
    out_v[...] = 1.0 / (1.0 + jnp.exp(-v))
    pltpu.sync_copy(out_v, out_hbm)


_sc_call = functools.partial(
    pl.kernel,
    out_type=jax.ShapeDtypeStruct((LANES,), jnp.float32),
    mesh=plsc.VectorSubcoreMesh(
        core_axis_name="c", subcore_axis_name="s", num_cores=1, num_subcores=1),
    scratch_types=[
        pltpu.VMEM((2 * IDX_PAD,), jnp.int32),
        pltpu.VMEM((1, EMBED), jnp.float32),
        pltpu.VMEM((1, EMBED), jnp.float32),
        pltpu.VMEM((LANES,), jnp.float32),
        pltpu.SemaphoreType.DMA,
        pltpu.SemaphoreType.DMA,
    ],
)(_sc_body)


@jax.jit
def kernel(tgt_word, ctx_word, w, c):
    idx = jnp.concatenate([
        jnp.broadcast_to(tgt_word.reshape(1), (IDX_PAD,)),
        jnp.broadcast_to(ctx_word.reshape(1), (IDX_PAD,)),
    ]).astype(jnp.int32)
    out16 = _sc_call(idx, w, c)
    return out16[0]

# --- scband reference (transcript-rebuilt; emitter-appended) ---
"""Pipeline reference for scband-skip-gram-ns-3564822856180 (READ-ONLY COPY).

The authoritative reference and input builder live on the scoring server;
editing this copy changes nothing except your own understanding.
"""

import jax, jax.numpy as jnp
import numpy as np

VOCAB_SIZE = 1000000
EMBED_SIZE = 128


def _xavier_normal(key, shape):
    fan_out, fan_in = shape
    std = float(np.sqrt(2.0 / (fan_in + fan_out)))
    return jax.random.normal(key, shape, dtype=jnp.float32) * std


def setup_inputs(seed: int = 0) -> dict:
    key = jax.random.key(seed)
    k1, k2, k3, k4 = jax.random.split(key, 4)
    tgt_word = jax.random.randint(k1, (), 0, VOCAB_SIZE, dtype=jnp.int32)
    ctx_word = jax.random.randint(k2, (), 0, VOCAB_SIZE, dtype=jnp.int32)
    # learned parameters: two embedding tables (w: target, c: context), xavier_normal init
    w = _xavier_normal(k3, (VOCAB_SIZE, EMBED_SIZE))
    c = _xavier_normal(k4, (VOCAB_SIZE, EMBED_SIZE))
    return {"tgt_word": tgt_word, "ctx_word": ctx_word, "w": w, "c": c}


def reference(tgt_word, ctx_word, w, c):
    # tgt_emb = self.w(tgt_word)  -> row gather from target embedding table
    tgt_emb = jnp.take(w, tgt_word, axis=0)
    # ctx_emb = self.c(ctx_word)  -> row gather from context embedding table
    ctx_emb = jnp.take(c, ctx_word, axis=0)
    # score = torch.dot(tgt_emb, ctx_emb)
    score = jnp.dot(tgt_emb, ctx_emb)
    # return torch.sigmoid(score)
    return jax.nn.sigmoid(score)

if __name__ == "__main__":
    import jax
    _d = setup_inputs()
    print(jax.jit(kernel)(*tuple(_d.values())))

</pallas_src>

<mosaic_0001>
#map = affine_map<(d0, d1) -> (0)>
#map1 = affine_map<(d0, d1) -> (0, 0)>
module attributes {stable_mosaic.version = 14 : i64} {
  func.func @_sc_body(%arg0: i32, %arg1: i32, %arg2: memref<16xi32, #tpu.memory_space<hbm>>, %arg3: memref<1000000x128xf32, #tpu.memory_space<hbm>>, %arg4: memref<1000000x128xf32, #tpu.memory_space<hbm>>, %arg5: memref<16xf32, #tpu.memory_space<hbm>>, %arg6: memref<16xi32, #tpu.memory_space<vmem>>, %arg7: memref<1x128xf32, #tpu.memory_space<vmem>>, %arg8: memref<1x128xf32, #tpu.memory_space<vmem>>, %arg9: memref<16xf32, #tpu.memory_space<vmem>>, %arg10: memref<!tpu.dma_semaphore, #tpu.memory_space<semaphore_mem>>, %arg11: memref<!tpu.dma_semaphore, #tpu.memory_space<semaphore_mem>>) attributes {dimension_semantics = [#tpu.dimension_semantics<core_parallel>, #tpu.dimension_semantics<subcore_parallel>], iteration_bounds = array<i64: 1, 1>, scalar_prefetch = 0 : i64, scratch_operands = 6 : i64, tpu.core_type = #tpu.core_type<sc_vector_subcore>, window_params = [{transform_indices = #map}, {transform_indices = #map1}, {transform_indices = #map1}, {transform_indices = #map}]} {
    "tpu.region"() ({
      %run_scoped3A = tpu.sem_alloc : memref<!tpu.dma_semaphore, #tpu.memory_space<semaphore_mem>>
      tpu.enqueue_dma source(%arg2 : memref<16xi32, #tpu.memory_space<hbm>>) target(%arg6 : memref<16xi32, #tpu.memory_space<vmem>>) target_semaphore(%run_scoped3A : memref<!tpu.dma_semaphore, #tpu.memory_space<semaphore_mem>>)
      tpu.wait_dma2 semaphore(%run_scoped3A : memref<!tpu.dma_semaphore, #tpu.memory_space<semaphore_mem>>) src(%arg2 : memref<16xi32, #tpu.memory_space<hbm>>) dst(%arg6 : memref<16xi32, #tpu.memory_space<vmem>>)
      tpu.yield
    }) : () -> ()
    %dma_start3A = arith.constant 0 : i32
    %dma_start3A_0 = tpu.memref_slice %arg6[%dma_start3A] : memref<16xi32, #tpu.memory_space<vmem>> -> memref<1xi32, #tpu.memory_space<vmem>>
    %dma_start3A_1 = arith.constant 0 : i32
    %dma_start3A_2 = arith.constant 0 : i32
    %dma_start3A_3 = tpu.memref_slice %arg3[%dma_start3A_1, %dma_start3A_2] : memref<1000000x128xf32, #tpu.memory_space<hbm>> -> memref<1000000x128xf32, #tpu.memory_space<hbm>>
    tpu.enqueue_indirect_dma source(%dma_start3A_3 : memref<1000000x128xf32, #tpu.memory_space<hbm>>) target(%arg7 : memref<1x128xf32, #tpu.memory_space<vmem>>) offsets(%dma_start3A_0 : memref<1xi32, #tpu.memory_space<vmem>>) semaphore(%arg10 : memref<!tpu.dma_semaphore, #tpu.memory_space<semaphore_mem>>)
    %dma_start3A_4 = arith.constant 8 : i32
    %dma_start3A_5 = tpu.memref_slice %arg6[%dma_start3A_4] : memref<16xi32, #tpu.memory_space<vmem>> -> memref<1xi32, #tpu.memory_space<vmem>>
    %dma_start3A_6 = arith.constant 0 : i32
    %dma_start3A_7 = arith.constant 0 : i32
    %dma_start3A_8 = tpu.memref_slice %arg4[%dma_start3A_6, %dma_start3A_7] : memref<1000000x128xf32, #tpu.memory_space<hbm>> -> memref<1000000x128xf32, #tpu.memory_space<hbm>>
    tpu.enqueue_indirect_dma source(%dma_start3A_8 : memref<1000000x128xf32, #tpu.memory_space<hbm>>) target(%arg8 : memref<1x128xf32, #tpu.memory_space<vmem>>) offsets(%dma_start3A_5 : memref<1xi32, #tpu.memory_space<vmem>>) semaphore(%arg11 : memref<!tpu.dma_semaphore, #tpu.memory_space<semaphore_mem>>)
    %dma_wait3A = arith.constant 0 : i32
    %dma_wait3A_9 = tpu.memref_slice %arg6[%dma_wait3A] : memref<16xi32, #tpu.memory_space<vmem>> -> memref<1xi32, #tpu.memory_space<vmem>>
    %dma_wait3A_10 = arith.constant 0 : i32
    %dma_wait3A_11 = arith.constant 0 : i32
    %dma_wait3A_12 = tpu.memref_slice %arg3[%dma_wait3A_10, %dma_wait3A_11] : memref<1000000x128xf32, #tpu.memory_space<hbm>> -> memref<1000000x128xf32, #tpu.memory_space<hbm>>
    tpu.wait_indirect_dma semaphore(%arg10 : memref<!tpu.dma_semaphore, #tpu.memory_space<semaphore_mem>>) src(%dma_wait3A_12 : memref<1000000x128xf32, #tpu.memory_space<hbm>>) dst(%arg7 : memref<1x128xf32, #tpu.memory_space<vmem>>)
    %dma_wait3A_13 = arith.constant 8 : i32
    %dma_wait3A_14 = tpu.memref_slice %arg6[%dma_wait3A_13] : memref<16xi32, #tpu.memory_space<vmem>> -> memref<1xi32, #tpu.memory_space<vmem>>
    %dma_wait3A_15 = arith.constant 0 : i32
    %dma_wait3A_16 = arith.constant 0 : i32
    %dma_wait3A_17 = tpu.memref_slice %arg4[%dma_wait3A_15, %dma_wait3A_16] : memref<1000000x128xf32, #tpu.memory_space<hbm>> -> memref<1000000x128xf32, #tpu.memory_space<hbm>>
    tpu.wait_indirect_dma semaphore(%arg11 : memref<!tpu.dma_semaphore, #tpu.memory_space<semaphore_mem>>) src(%dma_wait3A_17 : memref<1000000x128xf32, #tpu.memory_space<hbm>>) dst(%arg8 : memref<1x128xf32, #tpu.memory_space<vmem>>)
    %get3A = arith.constant 0 : i32
    %get3A_18 = arith.index_cast %get3A : i32 to index
    %get3A_19 = arith.constant 0 : index
    %get3A_20 = tpu.vector_load %arg7[%get3A_18, %get3A_19] {strides = array<i32>} : memref<1x128xf32, #tpu.memory_space<vmem>>, vector<1x16xf32>,
    %get3A_21 = vector.shape_cast %get3A_20 : vector<1x16xf32> to vector<16xf32>
    %get3A_22 = arith.constant 0 : i32
    %get3A_23 = arith.index_cast %get3A_22 : i32 to index
    %get3A_24 = arith.constant 0 : index
    %get3A_25 = tpu.vector_load %arg8[%get3A_23, %get3A_24] {strides = array<i32>} : memref<1x128xf32, #tpu.memory_space<vmem>>, vector<1x16xf32>,
    %get3A_26 = vector.shape_cast %get3A_25 : vector<1x16xf32> to vector<16xf32>
    %mul3A = arith.mulf %get3A_21, %get3A_26 : vector<16xf32>
    %get3A_27 = arith.constant 0 : i32
    %get3A_28 = arith.index_cast %get3A_27 : i32 to index
    %get3A_29 = arith.constant 16 : index
    %get3A_30 = tpu.vector_load %arg7[%get3A_28, %get3A_29] {strides = array<i32>} : memref<1x128xf32, #tpu.memory_space<vmem>>, vector<1x16xf32>,
    %get3A_31 = vector.shape_cast %get3A_30 : vector<1x16xf32> to vector<16xf32>
    %get3A_32 = arith.constant 0 : i32
    %get3A_33 = arith.index_cast %get3A_32 : i32 to index
    %get3A_34 = arith.constant 16 : index
    %get3A_35 = tpu.vector_load %arg8[%get3A_33, %get3A_34] {strides = array<i32>} : memref<1x128xf32, #tpu.memory_space<vmem>>, vector<1x16xf32>,
    %get3A_36 = vector.shape_cast %get3A_35 : vector<1x16xf32> to vector<16xf32>
    %mul3A_37 = arith.mulf %get3A_31, %get3A_36 : vector<16xf32>
    %add3A = arith.addf %mul3A, %mul3A_37 : vector<16xf32>
    %get3A_38 = arith.constant 0 : i32
    %get3A_39 = arith.index_cast %get3A_38 : i32 to index
    %get3A_40 = arith.constant 32 : index
    %get3A_41 = tpu.vector_load %arg7[%get3A_39, %get3A_40] {strides = array<i32>} : memref<1x128xf32, #tpu.memory_space<vmem>>, vector<1x16xf32>,
    %get3A_42 = vector.shape_cast %get3A_41 : vector<1x16xf32> to vector<16xf32>
    %get3A_43 = arith.constant 0 : i32
    %get3A_44 = arith.index_cast %get3A_43 : i32 to index
    %get3A_45 = arith.constant 32 : index
    %get3A_46 = tpu.vector_load %arg8[%get3A_44, %get3A_45] {strides = array<i32>} : memref<1x128xf32, #tpu.memory_space<vmem>>, vector<1x16xf32>,
    %get3A_47 = vector.shape_cast %get3A_46 : vector<1x16xf32> to vector<16xf32>
    %mul3A_48 = arith.mulf %get3A_42, %get3A_47 : vector<16xf32>
    %add3A_49 = arith.addf %add3A, %mul3A_48 : vector<16xf32>
    %get3A_50 = arith.constant 0 : i32
    %get3A_51 = arith.index_cast %get3A_50 : i32 to index
    %get3A_52 = arith.constant 48 : index
    %get3A_53 = tpu.vector_load %arg7[%get3A_51, %get3A_52] {strides = array<i32>} : memref<1x128xf32, #tpu.memory_space<vmem>>, vector<1x16xf32>,
    %get3A_54 = vector.shape_cast %get3A_53 : vector<1x16xf32> to vector<16xf32>
    %get3A_55 = arith.constant 0 : i32
    %get3A_56 = arith.index_cast %get3A_55 : i32 to index
    %get3A_57 = arith.constant 48 : index
    %get3A_58 = tpu.vector_load %arg8[%get3A_56, %get3A_57] {strides = array<i32>} : memref<1x128xf32, #tpu.memory_space<vmem>>, vector<1x16xf32>,
    %get3A_59 = vector.shape_cast %get3A_58 : vector<1x16xf32> to vector<16xf32>
    %mul3A_60 = arith.mulf %get3A_54, %get3A_59 : vector<16xf32>
    %add3A_61 = arith.addf %add3A_49, %mul3A_60 : vector<16xf32>
    %get3A_62 = arith.constant 0 : i32
    %get3A_63 = arith.index_cast %get3A_62 : i32 to index
    %get3A_64 = arith.constant 64 : index
    %get3A_65 = tpu.vector_load %arg7[%get3A_63, %get3A_64] {strides = array<i32>} : memref<1x128xf32, #tpu.memory_space<vmem>>, vector<1x16xf32>,
    %get3A_66 = vector.shape_cast %get3A_65 : vector<1x16xf32> to vector<16xf32>
    %get3A_67 = arith.constant 0 : i32
    %get3A_68 = arith.index_cast %get3A_67 : i32 to index
    %get3A_69 = arith.constant 64 : index
    %get3A_70 = tpu.vector_load %arg8[%get3A_68, %get3A_69] {strides = array<i32>} : memref<1x128xf32, #tpu.memory_space<vmem>>, vector<1x16xf32>,
    %get3A_71 = vector.shape_cast %get3A_70 : vector<1x16xf32> to vector<16xf32>
    %mul3A_72 = arith.mulf %get3A_66, %get3A_71 : vector<16xf32>
    %add3A_73 = arith.addf %add3A_61, %mul3A_72 : vector<16xf32>
    %get3A_74 = arith.constant 0 : i32
    %get3A_75 = arith.index_cast %get3A_74 : i32 to index
    %get3A_76 = arith.constant 80 : index
    %get3A_77 = tpu.vector_load %arg7[%get3A_75, %get3A_76] {strides = array<i32>} : memref<1x128xf32, #tpu.memory_space<vmem>>, vector<1x16xf32>,
    %get3A_78 = vector.shape_cast %get3A_77 : vector<1x16xf32> to vector<16xf32>
    %get3A_79 = arith.constant 0 : i32
    %get3A_80 = arith.index_cast %get3A_79 : i32 to index
    %get3A_81 = arith.constant 80 : index
    %get3A_82 = tpu.vector_load %arg8[%get3A_80, %get3A_81] {strides = array<i32>} : memref<1x128xf32, #tpu.memory_space<vmem>>, vector<1x16xf32>,
    %get3A_83 = vector.shape_cast %get3A_82 : vector<1x16xf32> to vector<16xf32>
    %mul3A_84 = arith.mulf %get3A_78, %get3A_83 : vector<16xf32>
    %add3A_85 = arith.addf %add3A_73, %mul3A_84 : vector<16xf32>
    %get3A_86 = arith.constant 0 : i32
    %get3A_87 = arith.index_cast %get3A_86 : i32 to index
    %get3A_88 = arith.constant 96 : index
    %get3A_89 = tpu.vector_load %arg7[%get3A_87, %get3A_88] {strides = array<i32>} : memref<1x128xf32, #tpu.memory_space<vmem>>, vector<1x16xf32>,
    %get3A_90 = vector.shape_cast %get3A_89 : vector<1x16xf32> to vector<16xf32>
    %get3A_91 = arith.constant 0 : i32
    %get3A_92 = arith.index_cast %get3A_91 : i32 to index
    %get3A_93 = arith.constant 96 : index
    %get3A_94 = tpu.vector_load %arg8[%get3A_92, %get3A_93] {strides = array<i32>} : memref<1x128xf32, #tpu.memory_space<vmem>>, vector<1x16xf32>,
    %get3A_95 = vector.shape_cast %get3A_94 : vector<1x16xf32> to vector<16xf32>
    %mul3A_96 = arith.mulf %get3A_90, %get3A_95 : vector<16xf32>
    %add3A_97 = arith.addf %add3A_85, %mul3A_96 : vector<16xf32>
    %get3A_98 = arith.constant 0 : i32
    %get3A_99 = arith.index_cast %get3A_98 : i32 to index
    %get3A_100 = arith.constant 112 : index
    %get3A_101 = tpu.vector_load %arg7[%get3A_99, %get3A_100] {strides = array<i32>} : memref<1x128xf32, #tpu.memory_space<vmem>>, vector<1x16xf32>,
    %get3A_102 = vector.shape_cast %get3A_101 : vector<1x16xf32> to vector<16xf32>
    %get3A_103 = arith.constant 0 : i32
    %get3A_104 = arith.index_cast %get3A_103 : i32 to index
    %get3A_105 = arith.constant 112 : index
    %get3A_106 = tpu.vector_load %arg8[%get3A_104, %get3A_105] {strides = array<i32>} : memref<1x128xf32, #tpu.memory_space<vmem>>, vector<1x16xf32>,
    %get3A_107 = vector.shape_cast %get3A_106 : vector<1x16xf32> to vector<16xf32>
    %mul3A_108 = arith.mulf %get3A_102, %get3A_107 : vector<16xf32>
    %add3A_109 = arith.addf %add3A_97, %mul3A_108 : vector<16xf32>
    %slice3A = vector.extract_strided_slice %add3A_109 {offsets = [0], sizes = [1], strides = [1]} : vector<16xf32> to vector<1xf32>
    %squeeze3A = vector.extract %slice3A[0] : f32 from vector<1xf32>
    %slice3A_110 = vector.extract_strided_slice %add3A_109 {offsets = [1], sizes = [1], strides = [1]} : vector<16xf32> to vector<1xf32>
    %squeeze3A_111 = vector.extract %slice3A_110[0] : f32 from vector<1xf32>
    %add3A_112 = arith.addf %squeeze3A, %squeeze3A_111 : f32
    %slice3A_113 = vector.extract_strided_slice %add3A_109 {offsets = [2], sizes = [1], strides = [1]} : vector<16xf32> to vector<1xf32>
    %squeeze3A_114 = vector.extract %slice3A_113[0] : f32 from vector<1xf32>
    %add3A_115 = arith.addf %add3A_112, %squeeze3A_114 : f32
    %slice3A_116 = vector.extract_strided_slice %add3A_109 {offsets = [3], sizes = [1], strides = [1]} : vector<16xf32> to vector<1xf32>
    %squeeze3A_117 = vector.extract %slice3A_116[0] : f32 from vector<1xf32>
    %add3A_118 = arith.addf %add3A_115, %squeeze3A_117 : f32
    %slice3A_119 = vector.extract_strided_slice %add3A_109 {offsets = [4], sizes = [1], strides = [1]} : vector<16xf32> to vector<1xf32>
    %squeeze3A_120 = vector.extract %slice3A_119[0] : f32 from vector<1xf32>
    %add3A_121 = arith.addf %add3A_118, %squeeze3A_120 : f32
    %slice3A_122 = vector.extract_strided_slice %add3A_109 {offsets = [5], sizes = [1], strides = [1]} : vector<16xf32> to vector<1xf32>
    %squeeze3A_123 = vector.extract %slice3A_122[0] : f32 from vector<1xf32>
    %add3A_124 = arith.addf %add3A_121, %squeeze3A_123 : f32
    %slice3A_125 = vector.extract_strided_slice %add3A_109 {offsets = [6], sizes = [1], strides = [1]} : vector<16xf32> to vector<1xf32>
    %squeeze3A_126 = vector.extract %slice3A_125[0] : f32 from vector<1xf32>
    %add3A_127 = arith.addf %add3A_124, %squeeze3A_126 : f32
    %slice3A_128 = vector.extract_strided_slice %add3A_109 {offsets = [7], sizes = [1], strides = [1]} : vector<16xf32> to vector<1xf32>
    %squeeze3A_129 = vector.extract %slice3A_128[0] : f32 from vector<1xf32>
    %add3A_130 = arith.addf %add3A_127, %squeeze3A_129 : f32
    %slice3A_131 = vector.extract_strided_slice %add3A_109 {offsets = [8], sizes = [1], strides = [1]} : vector<16xf32> to vector<1xf32>
    %squeeze3A_132 = vector.extract %slice3A_131[0] : f32 from vector<1xf32>
    %add3A_133 = arith.addf %add3A_130, %squeeze3A_132 : f32
    %slice3A_134 = vector.extract_strided_slice %add3A_109 {offsets = [9], sizes = [1], strides = [1]} : vector<16xf32> to vector<1xf32>
    %squeeze3A_135 = vector.extract %slice3A_134[0] : f32 from vector<1xf32>
    %add3A_136 = arith.addf %add3A_133, %squeeze3A_135 : f32
    %slice3A_137 = vector.extract_strided_slice %add3A_109 {offsets = [10], sizes = [1], strides = [1]} : vector<16xf32> to vector<1xf32>
    %squeeze3A_138 = vector.extract %slice3A_137[0] : f32 from vector<1xf32>
    %add3A_139 = arith.addf %add3A_136, %squeeze3A_138 : f32
    %slice3A_140 = vector.extract_strided_slice %add3A_109 {offsets = [11], sizes = [1], strides = [1]} : vector<16xf32> to vector<1xf32>
    %squeeze3A_141 = vector.extract %slice3A_140[0] : f32 from vector<1xf32>
    %add3A_142 = arith.addf %add3A_139, %squeeze3A_141 : f32
    %slice3A_143 = vector.extract_strided_slice %add3A_109 {offsets = [12], sizes = [1], strides = [1]} : vector<16xf32> to vector<1xf32>
    %squeeze3A_144 = vector.extract %slice3A_143[0] : f32 from vector<1xf32>
    %add3A_145 = arith.addf %add3A_142, %squeeze3A_144 : f32
    %slice3A_146 = vector.extract_strided_slice %add3A_109 {offsets = [13], sizes = [1], strides = [1]} : vector<16xf32> to vector<1xf32>
    %squeeze3A_147 = vector.extract %slice3A_146[0] : f32 from vector<1xf32>
    %add3A_148 = arith.addf %add3A_145, %squeeze3A_147 : f32
    %slice3A_149 = vector.extract_strided_slice %add3A_109 {offsets = [14], sizes = [1], strides = [1]} : vector<16xf32> to vector<1xf32>
    %squeeze3A_150 = vector.extract %slice3A_149[0] : f32 from vector<1xf32>
    %add3A_151 = arith.addf %add3A_148, %squeeze3A_150 : f32
    %slice3A_152 = vector.extract_strided_slice %add3A_109 {offsets = [15], sizes = [1], strides = [1]} : vector<16xf32> to vector<1xf32>
    %squeeze3A_153 = vector.extract %slice3A_152[0] : f32 from vector<1xf32>
    %add3A_154 = arith.addf %add3A_151, %squeeze3A_153 : f32
    %broadcast_in_dim3A = vector.broadcast %add3A_154 : f32 to vector<16xf32>
    %neg3A = arith.constant 0.000000e+00 : f32
    %neg3A_155 = vector.broadcast %neg3A : f32 to vector<16xf32>
    %neg3A_156 = arith.subf %neg3A_155, %broadcast_in_dim3A : vector<16xf32>
    %exp3A = math.exp %neg3A_156 : vector<16xf32>
    %add3A_157 = arith.constant 1.000000e+00 : f32
    %add3A_158 = vector.broadcast %add3A_157 : f32 to vector<16xf32>
    %add3A_159 = arith.addf %add3A_158, %exp3A : vector<16xf32>
    %div3A = arith.constant 1.000000e+00 : f32
    %div3A_160 = vector.broadcast %div3A : f32 to vector<16xf32>
    %div3A_161 = arith.divf %div3A_160, %add3A_159 : vector<16xf32>
    %swap3A = arith.constant 0 : index
    %swap3A_162 = tpu.vector_load %arg9[%swap3A] {strides = array<i32>} : memref<16xf32, #tpu.memory_space<vmem>>, vector<16xf32>,
    %swap3A_163 = vector.shape_cast %swap3A_162 : vector<16xf32> to vector<16xf32>
    %swap3A_164 = vector.shape_cast %div3A_161 : vector<16xf32> to vector<16xf32>
    tpu.vector_store %arg9[%swap3A], %swap3A_164 {strides = array<i32>} : memref<16xf32, #tpu.memory_space<vmem>>, vector<16xf32>,
    "tpu.region"() ({
      %run_scoped3A = tpu.sem_alloc : memref<!tpu.dma_semaphore, #tpu.memory_space<semaphore_mem>>
      tpu.enqueue_dma source(%arg9 : memref<16xf32, #tpu.memory_space<vmem>>) target(%arg5 : memref<16xf32, #tpu.memory_space<hbm>>) target_semaphore(%run_scoped3A : memref<!tpu.dma_semaphore, #tpu.memory_space<semaphore_mem>>)
      tpu.wait_dma2 semaphore(%run_scoped3A : memref<!tpu.dma_semaphore, #tpu.memory_space<semaphore_mem>>) src(%arg9 : memref<16xf32, #tpu.memory_space<vmem>>) dst(%arg5 : memref<16xf32, #tpu.memory_space<hbm>>)
      tpu.yield
    }) : () -> ()
    return
  }
}

</mosaic_0001>

<sc_bundles>
// kernel: kernel.3.cloned.1.call-start
scs
__scs_entry_jumppad:
0x0: {  	(pc) =	sbr.rel $0x88, $3  }
0x1: {  	(tag) =	ssettag $0x0;
	lr =	simm.s32 $0x1  }
0x2: {  	[smem:$0x3F9D] =	sst lr;
	_ =	strace $0xD0000000  }
0x3: {  	_ = 	snop  }
0x4: {  	_ = 	snop  }
0x5: {  	_ = 	snop  }
0x6: {  	_ = 	snop  }
0x7: {  	_ = 	snop  }
__scs_overlays_trampoline_lowered:
0x8: {  	[smem:$0x3FAC] =	sst s0  }
0x9: {  	[smem:$0x3FAD] =	sst s1  }
0xa: {  	[smem:$0x3FAE] =	sst s2  }
0xb: {  	[smem:$0x3FAF] =	sst s3  }
0xc: {  	[smem:$0x3FB0] =	sst s4  }
0xd: {  	[smem:$0x3FB1] =	sst s5  }
0xe: {  	[smem:$0x3FB2] =	sst s6  }
0xf: {  	[smem:$0x3FB3] =	sst s7  }
0x10: {  	[smem:$0x3FB4] =	sst s8  }
0x11: {  	[smem:$0x3FB5] =	sst s9;
	s0 =	simm.s32 @!p0 $0x0  }
0x12: {  	s1 =	sld [smem:$0x3F9B];
	s0 =	simm.s32 @p0 $0x1  }
0x13: {  	[smem:$0x3FB6] =	sst s0;
	s0 =	simm.s32 @!p1 $0x0  }
0x14: {  	s2 =	sld [smem:$0x3F9A];
	s0 =	simm.s32 @p1 $0x1  }
0x15: {  	[smem:$0x3FB7] =	sst s0;
	s0 =	simm.s32 @!p2 $0x0  }
0x16: {  	s3 =	sld [smem:$0x3FDB];
	s0 =	simm.s32 @p2 $0x1  }
0x17: {  	s4 =	simm.s32 $0x1BF5;
	[smem:$0x3FB9] =	sst s0  }
0x18: {  	s0 =	sld [smem:$0x3F9C];
	_ =	swait.ge [sflag:s4], $0x0  }
0x19: {  	s7 =	sld [smem:$0x3F9D]  }
0x1a: {  	s8 =	sadd.s32 $0xFFFFE003, lr  }
0x1b: {  	s9 =	sadd.s32 $0xFFFFFEF7, lr;
	s5 =	simm.s32 $0xFFFFFFFF;
	p2 =	slt.u32 s8, $0xFFFFF086  }
0x1c: {  	p1 =	slt.u32 s9, $0xF7A;
	s5 =	simm.s32 @!p2 $0x0  }
0x1d: {  	s5 =	simm.s32 @p1 $0x1;
	p0 =	seq.s32 s7, s2  }
0x1e: {  	s7 =	smul.u32 @!p0 $0xF7A, s2;
	p2 =	seq.s32 @!p0 s5, $0x0  }
0x1f: {  	s9 =	smul.u32 $0xF7A, s1;
	s8 =	simm.s32 @!p0 $0x1BF5;
	p2 =	por !p2, p0  }
0x20: {  	[sflag:s8] =	ssyncset.s32 @!p0 $0xFFFFF086;
	s6 =	sadd.s32 @!p0 s3, s7;
	s7 =	simm.s32 @!p0 $0x108  }
0x21: {  	s3 =	sadd.s32 s3, s9;
	s6 =	sadd.s32 @!p0 $0x88, s6;
	s7 =	simm.s32 @p2 $0x1082  }
0x22: {  	[simem:s7], [sflag:s8] =	dma.local @!p0 [hbm:s6], $0xF7A  }
0x23: {  	s9 =	sor.u32 $0xD0000000, s2;
	s6 =	simm.s32 $0x108;
	_ =	swait.ge @!p0 [sflag:s8], $0x0  }
0x24: {  	s3 =	sadd.s32 $0x88, s3;
	s6 =	simm.s32 @!p1 $0x1082;
	[sflag:s4] =	ssyncset.s32 $0xFFFFF086  }
0x25: {  	[simem:s6], [sflag:s4] =	dma.local [hbm:s3], $0xF7A  }
0x26: {  	[smem:$0x3F9D] =	sst s1;
	(tag) =	ssettag s2;
	_ =	strace s9  }
0x27: {  	s1 =	sld [smem:$0x3FAD]  }
0x28: {  	s2 =	sld [smem:$0x3FAE]  }
0x29: {  	s4 =	sld [smem:$0x3FB0]  }
0x2a: {  	p0 =	seq.s32 s5, $0x0;
	s5 =	sld [smem:$0x3FB1]  }
0x2b: {  	s6 =	sld [smem:$0x3FB2]  }
0x2c: {  	s7 =	sld [smem:$0x3FB3]  }
0x2d: {  	s3 =	simm.s32 $0x108;
	s8 =	sld [smem:$0x3FB4]  }
0x2e: {  	s3 =	simm.s32 @!p0 $0x1082;
	s9 =	sld [smem:$0x3FB5]  }
0x2f: {  	lr =	sadd.s32 s0, s3;
	s0 =	sld [smem:$0x3FAC]  }
0x30: {  	s3 =	sld [smem:$0x3FAF]  }
0x31: {  	[smem:$0x3FB8] =	sst s10  }
0x32: {  	s10 =	sld [smem:$0x3FB6];
	_ =	sdelay $0x3  }
0x33: {  	p0 =	seq.s32 s10, $0x1;
	s10 =	sld [smem:$0x3FB8];
	_ =	sdelay $0x3  }
0x34: {  	[smem:$0x3FB8] =	sst s10  }
0x35: {  	s10 =	sld [smem:$0x3FB7];
	_ =	sdelay $0x3  }
0x36: {  	p1 =	seq.s32 s10, $0x1;
	s10 =	sld [smem:$0x3FB8];
	_ =	sdelay $0x3  }
0x37: {  	[smem:$0x3FB8] =	sst s10  }
0x38: {  	s10 =	sld [smem:$0x3FB9]  }
0x39: {  	_ = 	snop;
	(pc) =	sbr.ind lr, $3  }
0x3a: {  	_ = 	snop  }
0x3b: {  	_ = 	snop  }
0x3c: {  	p2 =	seq.s32 s10, $0x1;
	s10 =	sld [smem:$0x3FB8]  }
0x3d: {  	_ =	shalt  }
0x3e: {  	_ =	shalt  }
0x3f: {  	_ =	shalt  }
0x40: {  	_ =	shalt  }
0x41: {  	_ =	shalt  }
0x42: {  	_ =	shalt  }
0x43: {  	_ =	shalt  }
0x44: {  	_ =	shalt  }
0x45: {  	_ =	shalt  }
0x46: {  	_ =	shalt  }
0x47: {  	_ =	shalt  }
0x48: {  	_ =	shalt  }
0x49: {  	_ =	shalt  }
0x4a: {  	_ =	shalt  }
0x4b: {  	_ =	shalt  }
0x4c: {  	_ =	shalt  }
0x4d: {  	_ =	shalt  }
0x4e: {  	_ =	shalt  }
0x4f: {  	_ =	shalt  }
0x50: {  	_ =	shalt  }
0x51: {  	_ =	shalt  }
0x52: {  	_ =	shalt  }
0x53: {  	_ =	shalt  }
0x54: {  	_ =	shalt  }
0x55: {  	_ =	shalt  }
0x56: {  	_ =	shalt  }
0x57: {  	_ =	shalt  }
0x58: {  	_ =	shalt  }
0x59: {  	_ =	shalt  }
0x5a: {  	_ =	shalt  }
0x5b: {  	_ =	shalt  }
0x5c: {  	_ =	shalt  }
0x5d: {  	_ =	shalt  }
0x5e: {  	_ =	shalt  }
0x5f: {  	_ =	shalt  }
0x60: {  	_ =	shalt  }
0x61: {  	_ =	shalt  }
0x62: {  	_ =	shalt  }
0x63: {  	_ =	shalt  }
0x64: {  	_ =	shalt  }
0x65: {  	_ =	shalt  }
0x66: {  	_ =	shalt  }
0x67: {  	_ =	shalt  }
0x68: {  	_ =	shalt  }
0x69: {  	_ =	shalt  }
0x6a: {  	_ =	shalt  }
0x6b: {  	_ =	shalt  }
0x6c: {  	_ =	shalt  }
0x6d: {  	_ =	shalt  }
0x6e: {  	_ =	shalt  }
0x6f: {  	_ =	shalt  }
0x70: {  	_ =	shalt  }
0x71: {  	_ =	shalt  }
0x72: {  	_ =	shalt  }
0x73: {  	_ =	shalt  }
0x74: {  	_ =	shalt  }
0x75: {  	_ =	shalt  }
0x76: {  	_ =	shalt  }
0x77: {  	_ =	shalt  }
0x78: {  	_ =	shalt  }
0x79: {  	_ =	shalt  }
0x7a: {  	_ =	shalt  }
0x7b: {  	_ =	shalt  }
0x7c: {  	_ =	shalt  }
0x7d: {  	_ =	shalt  }
0x7e: {  	_ =	shalt  }
0x7f: {  	_ =	shalt  }
0x80: {  	_ =	shalt  }
0x81: {  	_ =	shalt  }
0x82: {  	_ =	shalt  }
0x83: {  	_ =	shalt  }
0x84: {  	_ =	shalt  }
0x85: {  	_ =	shalt  }
0x86: {  	_ =	shalt  }
0x87: {  	_ =	shalt  }
.Lfunc_end0:
.L_simem_size_0:
called_computation_lowered:
.L_overlay_start_0:
0x88: {  	s0 =	sld [smem:$0x3FD9]  }
0x89: {  	s1 =	sld [smem:$0x3FFE];
	_ =	sdelay $0x3  }
0x8a: {  	s0 =	sadd.s32 s1, s0  }
0x8b: {  	[smem:$0x3FC4] =	sst s0  }
0x8c: {  	_ = 	snop  }
0x8d: {  	s0 =	sld [smem:$0x3FC7]  }
0x8e: {  	s16 =	sld [smem:$0x3FC6]  }
0x8f: {  	s2 =	sld [smem:$0x3FD0];
	(tm) =	ssettm $0x1  }
0x90: {  	s3 =	sld [smem:$0x3FFB];
	_ =	sdelay $0x3  }
0x91: {  	_ =	strace s3  }
0x92: {  	s3 =	sld [smem:$0x3FFC];
	_ =	sdelay $0x3  }
0x93: {  	_ =	strace s3  }
0x94: {  	s3 =	sld [smem:$0x3FFD];
	_ =	sdelay $0x3  }
0x95: {  	_ =	strace s3  }
0x96: {  	_ =	strace $0x8FFFFFFF  }
0x97: {  	s17 =	sld [smem:$0x3FDB];
	_ =	sdelay $0x1  }
0x98: {  	s4 =	simm.s32 $_scs_section_size  }
0x99: {  	s5 =	simm.s32 $_size__tile_overlayer_lowered;
	s6 =	simm.s32 $_tile_overlayer_lowered  }
0x9a: {  	s20 =	simm.s32 $0x1BFF;
	s19 =	sshll.u32 s6, $0x1;
	s3 =	sadd.s32 s4, s17  }
0x9b: {  	s7 =	simm.s32 $0x0;
	s18 =	sshll.u32 s5, $0x1;
	s5 =	sadd.s32 s19, s3  }
0x9c: {  	[timem:s7], [sflag:s20] =	dma.local [hbm:s5], s18  }
0x9d: {  	_ =	swait.ge [sflag:s20], s18  }
0x9e: {  	s4 =	ssub.s32 $0x0, s18;
	[sflag:s20] =	ssyncset.done $0x0  }
0x9f: {  	[sflag:s20] =	ssyncadd.s32 s4;
	_ =	sdelay $0x1  }
0xa0: {  	s21 =	simm.s32 $0x1B8B  }
0xa1: {  	_ =	swait.ge [sflag:s21], $0x1  }
0xa2: {  	[sflag:s21] =	ssyncset.done $0x0  }
0xa3: {  	s23 =	simm.s32 $0x1B8E;
	s22 =	sld [smem:$0x3FFE];
	[sflag:s21] =	ssyncadd.s32 $0xFFFFFFFF  }
0xa4: {  	s24 =	simm.s32 $execute0_lowered;
	[smem:$0x3FD2] =	sst s23  }
0xa5: {  	s5 =	sshll.u32 s24, $0x1;
	_ =	strace $0x80000046;
	[dreg:$0x1] =	wrdreg $0xFFFFFFFF  }
0xa6: {  	s25 =	simm.s32 $_size_execute0_lowered;
	s3 =	sadd.s32 s3, s5;
	[dreg:$0x0] =	wrdreg $0x0  }
0xa7: {  	s5 =	sshll.u32 s25, $0x1;
	[dreg:$0x2] =	wrdreg s3  }
0xa8: {  	[dreg:$0x3] =	wrdreg s5  }
0xa9: {  	[dreg:$0x4] =	wrdreg $0xC0  }
0xaa: {  	_ =	task [dreg:s7], $0x5FFFF  }
0xab: {  	[dreg:$0x1] =	wrdreg $0xFFFFFFFF  }
0xac: {  	[dreg:$0x0] =	wrdreg $0x60  }
0xad: {  	[dreg:$0x2] =	wrdreg s22  }
0xae: {  	[dreg:$0x3] =	wrdreg s0  }
0xaf: {  	[dreg:$0x4] =	wrdreg s16  }
0xb0: {  	[dreg:$0x5] =	wrdreg s2  }
0xb1: {  	[dreg:$0x6] =	wrdreg $0x9  }
0xb2: {  	_ =	task.clear_ibuf [dreg:s7], $0x7FFFF;
	_ =	strace $0x90000046  }
0xb3: {  	s26 =	simm.s32 $0x9;
	_ =	strace $0x80000048  }
0xb4: {  	_ =	swait.ge [sflag:s26], $0x1  }
0xb5: {  	[sflag:s26] =	ssyncadd.s32 $0xFFFFFFFF  }
0xb6: {  	_ =	strace $0x90000048  }
0xb7: {  	_ =	sfence  }
0xb8: {  	s28 =	sld [smem:$0x0];
	_ =	sdelay $0x1  }
0xb9: {  	s29 =	srdreg.scid  }
0xba: {  	s30 =	sshll.u32 s29, $0xD;
	s31 =	sshrl.u32 s29, $0x2  }
0xbb: {  	s1 =	sand.u32 $0x1, s29;
	s2 =	sand.u32 $0x4000, s30;
	s0 =	sadd.s32 s31, s28  }
0xbc: {  	s1 =	sor.u32 s2, s1;
	s0 =	sshll.u32 s0, $0x11  }
0xbd: {  	s0 =	sor.u32 s0, s1  }
0xbe: {  	s0 =	sadd.s32 $0x8F2B, s0  }
0xbf: {  	[sflag:s0] =	ssyncadd.remote.s32 $0x1  }
0xc0: {  	_ =	sfence.sel $0xFFFF  }
0xc1: {  	[dreg:$0x0] =	wrdreg $0xFFFFFFFF;
	(pc) =	sbr.abs _section_cstart, $3  }
0xc2: {  	[dreg:$0x1] =	wrdreg $0xFFFFFFFF  }
0xc3: {  	_ =	task.clear_ibuf [dreg:s7], $0x2FFFF;
	_ =	strace $0x9FFFFFFF  }
0xc4: {  	(tm) =	ssettm $0x7FFFFFFF  }
0xc5: {  	_ =	shalt  }
tec
execute0_lowered:
.L_overlay_start_1:
0x0: {  	(tag) =	ssettag $0x1  }
0x1: {  	s3 =	stileid.u32  }
0x2: {  	p0 =	sne.s32 s3, $0x0  }
.Ltmp0:
0x3: {  	s2 =	rddreg [dreg:$0x0];
	(pc) =	sbr.rel @p0 .LBB2_2-.Ltmp0, $4  }
0x4: {  	s5 =	rddreg [dreg:$0x1]  }
0x5: {  	s4 =	rddreg [dreg:$0x2]  }
0x6: {  	s1 =	rddreg [dreg:$0x3]  }
0x7: {  	s0 =	rddreg [dreg:$0x4];
	_ =	strace $0x80000047  }
0x8: {  	s2 =	sadd.s32 $0x400, s2;
	s3 =	simm.s32 $0x0;
	s10 =	simm.s32 $0x3  }
0x9: {  	[tilespmem:s3], [sflag:$0x3] =	stream.linear.gather [hbm4b:s2+s3], $0x80, $0x38;
	[tilespmem:$0x200] =	vst v63  }
0xa: {  	_ =	swait.ge [sflag:s10], $0x80  }
0xb: {  	[sflag:s10] =	ssyncset.done $0x0  }
0xc: {  	s6 =	simm.s32 $0x1;
	s7 =	simm.s32 $0x80;
	[sflag:s10] =	ssyncadd.s32 $0xFFFFFF80  }
0xd: {  	[tilespmem:s7], [sflag:$0x1] =	stream.indirect.gather [hbm4b:s5+s6], $0x80, s3, s6, $0xb8;
	[tilespmem:$0x200] =	vst v63  }
0xe: {  	s11 =	simm.s32 $0x8;
	s12 =	simm.s32 $0x100  }
0xf: {  	[tilespmem:s12], [sflag:$0x2] =	stream.indirect.gather [hbm4b:s4+s6], $0x80, s11, s6, $0xb8;
	[tilespmem:$0x200] =	vst v63  }
0x10: {  	_ =	swait.ge [sflag:s6], $0x80  }
0x11: {  	[sflag:s6] =	ssyncset.done $0x0  }
0x12: {  	s13 =	simm.s32 $0x2;
	[sflag:s6] =	ssyncadd.s32 $0xFFFFFF80  }
0x13: {  	_ =	swait.ge [sflag:s13], $0x80  }
0x14: {  	[sflag:s13] =	ssyncset.done $0x0  }
0x15: {  	[sflag:s13] =	ssyncadd.s32 $0xFFFFFF80  }
0x16: {  	v0 =	vld [tilespmem:$0x80]  }
0x17: {  	v1 =	vld [tilespmem:$0x100]  }
0x18: {  	v2 =	vld [tilespmem:$0x90]  }
0x19: {  	v3 =	vld [tilespmem:$0x110]  }
0x1a: {  	v4 =	vld [tilespmem:$0xA0]  }
0x1b: {  	v5 =	vld [tilespmem:$0x120]  }
0x1c: {  	v6 =	vld [tilespmem:$0xB0]  }
0x1d: {  	v7 =	vld [tilespmem:$0x130]  }
0x1e: {  	v49 =	vld [tilespmem:$0xC0];
	v0 =	vmul.f32 v1, v0;
	v48 =	vmul.f32 v3, v2  }
0x1f: {  	v50 =	vld [tilespmem:$0x140]  }
0x20: {  	v52 =	vld [tilespmem:$0xD0];
	v51 =	vmul.f32 v5, v4;
	v0 =	vadd.f32 v48, v0  }
0x21: {  	v53 =	vld [tilespmem:$0x150]  }
0x22: {  	v55 =	vld [tilespmem:$0xE0];
	v54 =	vmul.f32 v7, v6;
	v0 =	vadd.f32 v51, v0  }
0x23: {  	v56 =	vld [tilespmem:$0x160]  }
0x24: {  	v58 =	vld [tilespmem:$0xF0];
	v57 =	vmul.f32 v50, v49;
	v0 =	vadd.f32 v54, v0  }
0x25: {  	v59 =	vld [tilespmem:$0x170]  }
0x26: {  	v60 =	vmul.f32 v53, v52;
	v0 =	vadd.f32 v57, v0;
	_ =	sdelay $0x1  }
0x27: {  	v61 =	vmul.f32 v56, v55;
	v0 =	vadd.f32 v60, v0;
	_ =	sdelay $0x1  }
0x28: {  	v62 =	vmul.f32 v59, v58;
	v0 =	vadd.f32 v61, v0;
	_ =	sdelay $0x1  }
0x29: {  	v0 =	vadd.f32 v62, v0;
	_ =	sdelay $0x1  }
0x2a: {  	(v2sf) =	vpush v0, $0x0  }
0x2b: {  	(v2sf) =	vpush v0, $0x1;
	_ =	sdelay $0x1  }
0x2c: {  	(v2sf) =	vpush v0, $0x2;
	_ =	sdelay $0x1  }
0x2d: {  	(v2sf) =	vpush v0, $0x3;
	_ =	sdelay $0x1  }
0x2e: {  	(v2sf) =	vpush v0, $0x4;
	_ =	sdelay $0x1  }
0x2f: {  	(v2sf) =	vpush v0, $0x5;
	_ =	sdelay $0x1  }
0x30: {  	(v2sf) =	vpush v0, $0x6;
	_ =	sdelay $0x1  }
0x31: {  	(v2sf) =	vpush v0, $0x7;
	_ =	sdelay $0x1  }
0x32: {  	s14 =	spop (v2sf);
	(v2sf) =	vpush v0, $0x8  }
0x33: {  	s15 =	spop (v2sf)  }
0x34: {  	(v2sf) =	vpush v0, $0x9;
	s4 =	sadd.f32 s15, s14  }
0x35: {  	s16 =	spop (v2sf)  }
0x36: {  	(v2sf) =	vpush v0, $0xA;
	s4 =	sadd.f32 s4, s16  }
0x37: {  	s17 =	spop (v2sf)  }
0x38: {  	(v2sf) =	vpush v0, $0xB;
	s4 =	sadd.f32 s4, s17  }
0x39: {  	s18 =	spop (v2sf)  }
0x3a: {  	(v2sf) =	vpush v0, $0xC;
	s4 =	sadd.f32 s4, s18  }
0x3b: {  	s19 =	spop (v2sf)  }
0x3c: {  	(v2sf) =	vpush v0, $0xD;
	s4 =	sadd.f32 s4, s19  }
0x3d: {  	s20 =	spop (v2sf)  }
0x3e: {  	(v2sf) =	vpush v0, $0xE;
	s4 =	sadd.f32 s4, s20  }
0x3f: {  	s21 =	spop (v2sf)  }
0x40: {  	(v2sf) =	vpush v0, $0xF;
	s4 =	sadd.f32 s4, s21  }
0x41: {  	s22 =	spop (v2sf)  }
0x42: {  	s4 =	sadd.f32 s4, s22  }
0x43: {  	s23 =	spop (v2sf)  }
0x44: {  	s4 =	sadd.f32 s4, s23  }
0x45: {  	s24 =	spop (v2sf)  }
0x46: {  	s4 =	sadd.f32 s4, s24  }
0x47: {  	s25 =	spop (v2sf)  }
0x48: {  	s4 =	sadd.f32 s4, s25  }
0x49: {  	s26 =	spop (v2sf)  }
0x4a: {  	s4 =	sadd.f32 s4, s26  }
0x4b: {  	s28 =	spop (v2sf)  }
0x4c: {  	s4 =	sadd.f32 s4, s28  }
0x4d: {  	s29 =	spop (v2sf)  }
0x4e: {  	s4 =	sadd.f32 s4, s29  }
0x4f: {  	s30 =	spop (v2sf)  }
0x50: {  	s4 =	sadd.f32 s4, s30;
	_ =	sdelay $0x1  }
0x51: {  	v63 =	vmov s4  }
0x52: {  	v0 =	vsub.f32 $0.0e+00, v63;
	_ =	sdelay $0x1  }
0x53: {  	v0 =	vmul.f32 $1.442695020e+00, v0;
	_ =	sdelay $0x1  }
0x54: {  	v0 =	vbroadcast v0, $0x0;
	_ =	sdelay $0x1  }
0x55: {  	(erf) = vpow2.f32 v0;
	_ =	sdelay $0x8  }
0x56: {  	v0 =	vpop (erf)  }
0x57: {  	v0 =	vadd.f32 $1.000000000e+00, v0;
	_ =	sdelay $0x1  }
0x58: {  	(erf) = vrcp.f32 v0;
	_ =	sdelay $0x8  }
0x59: {  	v0 =	vpop (erf)  }
0x5a: {  	s31 =	simm.s32 $0x180;
	[tilespmem:$0x180] =	vst v0  }
0x5b: {  	[hbm4b:s1+s3] =	stream.linear.scatter [tilespmem:s31], [sflag:$0x3], $0x80, $0x38;
	[tilespmem:$0x200] =	vst v63  }
0x5c: {  	_ =	swait.ge [sflag:s10], $0x80  }
0x5d: {  	[sflag:s10] =	ssyncset.done $0x0  }
0x5e: {  	[sflag:s10] =	ssyncadd.s32 $0xFFFFFF80  }
.LBB2_2:
0x5f: {  	_ =	sfence.sel $0x180000  }
0x60: {  	[bflag:$0x0] =	sbarrier.arrive $0xFFFF  }
0x61: {  	_ =	strace $0x90000047  }
0x62: {  	s0 =	sadd.s32 @!p0 $0x100000, s0;
	[bflag:$0x2] =	sbarrier.arrive $0xFFFF  }
0x63: {  	[sflag:s0] =	ssyncadd.tile.s32 @!p0 $0x1;
	_ =	shalt  }
.Lfunc_end2:
_tile_overlayer_lowered:
.L_overlay_start_2:
0x64: {  	(tag) =	ssettag $0x2  }
0x65: {  	s0 =	rddreg [dreg:$0x0];
	s2 =	stileid.u32  }
0x66: {  	s1 =	rddreg [dreg:$0x1];
	p0 =	sne.s32 s2, $0x0  }
0x67: {  	s3 =	rddreg [dreg:$0x2];
	[bflag:$0x3] =	sbarrier.arrive $0xFFFF;
	s2 =	simm.s32 @!p0 $0x1C03  }
0x68: {  	[timem:s3], [sflag:s2] =	dma.local @!p0 [hbm:s0], s1  }
0x69: {  	s0 =	simm.s32 @!p0 $0x3  }
0x6a: {  	_ =	swait.ge @!p0 [sflag:s0], s1  }
0x6b: {  	s1 =	ssub.s32 @!p0 $0x0, s1;
	[sflag:s0] =	ssyncset.done @!p0 $0x0  }
0x6c: {  	[sflag:s0] =	ssyncadd.s32 @!p0 s1  }
0x6d: {  	[bflag:$0x3] =	sbarrier.arrive $0xFFFF  }
0x6e: {  	_ =	shalt  }

</sc_bundles>
